<compile_context>
chip_gen: v7x
topology: tpu7x:2x2x1
jax: 0.10.2.dev20260603
libtpu: 0.0.44.dev20260713+nightly
codegen_flags: <defaults>
</compile_context>

<pallas_src>
import functools

import jax
import jax.numpy as jnp
from jax import lax
from jax.experimental import pallas as pl
from jax.experimental.pallas import tpu as pltpu
from jax.experimental.pallas import tpu_sc as plsc

NSEG = 1024
NROWS = 320000
D = 128
NW = 32
UNITS = NROWS // 128
WU = 80
LAST_WU = UNITS - 31 * WU
NBUF = 5
LOOKAHEAD = 4
SC_LAG = 1


def _sc_segment_sum(scaler, batch_index2d, zeros):
    mesh = plsc.VectorSubcoreMesh(core_axis_name="c", subcore_axis_name="s")

    @functools.partial(
        pl.kernel,
        mesh=mesh,
        out_type=jax.ShapeDtypeStruct((2 * NSEG, D), jnp.float32),
        scratch_types=[
            pltpu.VMEM_SHARED((NSEG, D), jnp.float32),
            pltpu.VMEM((NBUF * 128, D), jnp.float32),
            pltpu.VMEM((WU, 128), jnp.int32),
            pltpu.VMEM((NSEG // 16, D), jnp.float32),
            pltpu.SemaphoreType.DMA,
            pltpu.SemaphoreType.DMA,
            pltpu.SemaphoreType.DMA,
            pltpu.SemaphoreType.DMA,
            pltpu.SemaphoreType.DMA,
            pltpu.SemaphoreType.DMA,
            pltpu.SemaphoreType.DMA,
            pltpu.SemaphoreType.DMA,
            pltpu.SemaphoreType.DMA,
            pltpu.SemaphoreType.DMA,
        ],
    )
    def seg_sum(scaler_hbm, idx_hbm, zeros_hbm, out_hbm,
                acc, rows, idx_all, bounce, *sems):
        ld_sems = sems[:NBUF]
        sc_sems = sems[NBUF:]
        c = lax.axis_index("c")
        s = lax.axis_index("s")
        wid = s * 2 + c

        seg0 = s * (NSEG // 16)
        pltpu.sync_copy(zeros_hbm.at[pl.ds(seg0, NSEG // 16)], bounce)
        pltpu.sync_copy(bounce, acc.at[pl.ds(seg0, NSEG // 16)])
        plsc.subcore_barrier()

        start_u = wid * WU
        nchunk = jnp.where(wid < NW - 1, WU, LAST_WU)

        pltpu.sync_copy(idx_hbm.at[pl.ds(start_u, WU)], idx_all)

        def buf(b):
            return rows.at[pl.ds(b * 128, 128)]

        def load(chunk, b):
            base = (start_u + chunk) * 128
            pltpu.make_async_copy(
                scaler_hbm.at[pl.ds(base, 128)], buf(b), ld_sems[b]).start()

        def drain_ld(b):
            pltpu.make_async_copy(
                scaler_hbm.at[pl.ds(0, 128)], buf(b), ld_sems[b]).wait()

        def scatter(chunk, b):
            pass

        def drain_sc(b):
            pass

        def load2(chunk, b):
            base = (start_u + chunk * 2) * 128
            pltpu.make_async_copy(
                scaler_hbm.at[pl.ds(base, 256)],
                rows.at[pl.ds(b * 256, 256)], ld_sems[b]).start()

        def drain_ld2(b):
            pltpu.make_async_copy(
                scaler_hbm.at[pl.ds(0, 256)],
                rows.at[pl.ds(b * 256, 256)], ld_sems[b]).wait()

        load2(0, 0)
        load2(1, 1)

        def body(i, _):
            for k in range(2):
                chunk = i * 2 + k
                drain_ld2(k)

                @pl.when(chunk + 2 < nchunk // 2)
                def _():
                    load2(chunk + 2, k)
            return ()

        lax.fori_loop(0, nchunk // 4, body, ())
        for t in range(SC_LAG):
            drain_sc((NBUF - SC_LAG + t) % NBUF)
        plsc.subcore_barrier()

        pltpu.sync_copy(acc.at[pl.ds(seg0, NSEG // 16)], bounce)
        pltpu.sync_copy(bounce, out_hbm.at[pl.ds(c * NSEG + seg0, NSEG // 16)])

    return seg_sum(scaler, batch_index2d, zeros)


def _mlp_body(p_ref, w1_ref, b1_ref, w2_ref, b2_ref, o_ref):
    x = p_ref[0:NSEG, :] + p_ref[NSEG:2 * NSEG, :]
    h = jnp.dot(x, w1_ref[...], preferred_element_type=jnp.float32) + b1_ref[...]
    h = jnp.maximum(h, 0.0)
    o = jnp.sum(h * w2_ref[...], axis=1, keepdims=True) + b2_ref[0, 0]
    o_ref[...] = o


def _mlp(partials, W1, b1, W2, b2):
    return pl.pallas_call(
        _mlp_body,
        out_shape=jax.ShapeDtypeStruct((NSEG, 1), jnp.float32),
    )(partials, W1, b1.reshape(1, D), W2.reshape(1, D), b2.reshape(1, 1))


def kernel(scaler, vector, batch_index, W1, b1, W2, b2):
    zeros = jnp.zeros((NSEG, D), jnp.float32)
    idx2d = jnp.pad(batch_index.reshape(UNITS, 128), ((0, NW * WU - UNITS), (0, 0)))
    partials = _sc_segment_sum(scaler, idx2d, zeros)
    return _mlp(partials, W1, b1, W2, b2)

# --- scband reference (transcript-rebuilt; emitter-appended) ---
"""Pipeline reference for scband-scaler-decoder-3212635537728 (READ-ONLY COPY).

The authoritative reference and input builder live on the scoring server;
editing this copy changes nothing except your own understanding.
"""

import jax, jax.numpy as jnp
import numpy as np

NUM_SEGMENTS = 1024

def setup_inputs(seed: int = 0) -> dict:
    key = jax.random.key(seed)
    k1, k2, k3, k4, k5, k6 = jax.random.split(key, 6)
    scaler = jax.random.normal(k1, (320000, 128), dtype=jnp.float32)
    vector = jnp.zeros((1,), dtype=jnp.float32)
    batch_index = jnp.sort(jax.random.randint(k2, (320000,), 0, NUM_SEGMENTS, dtype=jnp.int32))
    # MLP params: Linear(128 -> 128), activation (ReLU), Linear(128 -> 1)
    W1 = jax.random.normal(k3, (128, 128), dtype=jnp.float32) * 0.05
    b1 = jnp.zeros((128,), dtype=jnp.float32)
    W2 = jax.random.normal(k4, (128, 1), dtype=jnp.float32) * 0.05
    b2 = jnp.zeros((1,), dtype=jnp.float32)
    return {"scaler": scaler, "vector": vector, "batch_index": batch_index,
            "W1": W1, "b1": b1, "W2": W2, "b2": b2}

def reference(scaler, vector, batch_index, W1, b1, W2, b2):
    # graph_scaler = scatter_sum(scaler, batch_index, dim=0)
    graph_scaler = jax.ops.segment_sum(scaler, batch_index, num_segments=NUM_SEGMENTS)
    # MLP with pre_norm=False: Linear -> activation -> Linear (LayerNorm unused)
    h = graph_scaler @ W1 + b1
    h = jnp.maximum(h, 0.0)  # cfg['activation'] assumed ReLU
    out = h @ W2 + b2
    return out

if __name__ == "__main__":
    import jax
    _d = setup_inputs()
    print(jax.jit(kernel)(*tuple(_d.values())))

</pallas_src>

<mosaic_0001>
#map = affine_map<(d0, d1) -> (0, 0)>
module attributes {stable_mosaic.version = 14 : i64} {
  func.func @seg_sum(%arg0: i32, %arg1: i32, %arg2: memref<320000x128xf32, #tpu.memory_space<hbm>>, %arg3: memref<2560x128xi32, #tpu.memory_space<hbm>>, %arg4: memref<1024x128xf32, #tpu.memory_space<hbm>>, %arg5: memref<2048x128xf32, #tpu.memory_space<hbm>>, %arg6: memref<1024x128xf32, #tpu.memory_space<vmem_shared>>, %arg7: memref<640x128xf32, #tpu.memory_space<vmem>>, %arg8: memref<80x128xi32, #tpu.memory_space<vmem>>, %arg9: memref<64x128xf32, #tpu.memory_space<vmem>>, %arg10: memref<!tpu.dma_semaphore, #tpu.memory_space<semaphore_mem>>, %arg11: memref<!tpu.dma_semaphore, #tpu.memory_space<semaphore_mem>>, %arg12: memref<!tpu.dma_semaphore, #tpu.memory_space<semaphore_mem>>, %arg13: memref<!tpu.dma_semaphore, #tpu.memory_space<semaphore_mem>>, %arg14: memref<!tpu.dma_semaphore, #tpu.memory_space<semaphore_mem>>, %arg15: memref<!tpu.dma_semaphore, #tpu.memory_space<semaphore_mem>>, %arg16: memref<!tpu.dma_semaphore, #tpu.memory_space<semaphore_mem>>, %arg17: memref<!tpu.dma_semaphore, #tpu.memory_space<semaphore_mem>>, %arg18: memref<!tpu.dma_semaphore, #tpu.memory_space<semaphore_mem>>, %arg19: memref<!tpu.dma_semaphore, #tpu.memory_space<semaphore_mem>>) attributes {dimension_semantics = [#tpu.dimension_semantics<core_parallel>, #tpu.dimension_semantics<subcore_parallel>], iteration_bounds = array<i64: 2, 16>, scalar_prefetch = 0 : i64, scratch_operands = 14 : i64, tpu.core_type = #tpu.core_type<sc_vector_subcore>, window_params = [{transform_indices = #map}, {transform_indices = #map}, {transform_indices = #map}, {transform_indices = #map}]} {
    %mul3A = arith.constant 2 : i32
    %mul3A_0 = arith.muli %arg1, %mul3A : i32
    %add3A = arith.addi %mul3A_0, %arg0 : i32
    %mul3A_1 = arith.constant 64 : i32
    %mul3A_2 = arith.muli %arg1, %mul3A_1 : i32
    "tpu.region"() ({
      %run_scoped3A = tpu.sem_alloc : memref<!tpu.dma_semaphore, #tpu.memory_space<semaphore_mem>>
      %dma_start3A_64 = arith.constant 0 : i32
      %dma_start3A_65 = tpu.memref_slice %arg4[%mul3A_2, %dma_start3A_64] : memref<1024x128xf32, #tpu.memory_space<hbm>> -> memref<64x128xf32, #tpu.memory_space<hbm>>
      %dma_start3A_66 = arith.constant 0 : i32
      %dma_start3A_67 = tpu.memref_slice %arg4[%mul3A_2, %dma_start3A_66] : memref<1024x128xf32, #tpu.memory_space<hbm>> -> memref<64x128xf32, #tpu.memory_space<hbm>>
      tpu.enqueue_dma source(%dma_start3A_67 : memref<64x128xf32, #tpu.memory_space<hbm>>) target(%arg9 : memref<64x128xf32, #tpu.memory_space<vmem>>) target_semaphore(%run_scoped3A : memref<!tpu.dma_semaphore, #tpu.memory_space<semaphore_mem>>)
      %dma_wait3A = arith.constant 0 : i32
      %dma_wait3A_68 = tpu.memref_slice %arg4[%mul3A_2, %dma_wait3A] : memref<1024x128xf32, #tpu.memory_space<hbm>> -> memref<64x128xf32, #tpu.memory_space<hbm>>
      %dma_wait3A_69 = arith.constant 0 : i32
      %dma_wait3A_70 = tpu.memref_slice %arg4[%mul3A_2, %dma_wait3A_69] : memref<1024x128xf32, #tpu.memory_space<hbm>> -> memref<64x128xf32, #tpu.memory_space<hbm>>
      tpu.wait_dma2 semaphore(%run_scoped3A : memref<!tpu.dma_semaphore, #tpu.memory_space<semaphore_mem>>) src(%dma_wait3A_70 : memref<64x128xf32, #tpu.memory_space<hbm>>) dst(%arg9 : memref<64x128xf32, #tpu.memory_space<vmem>>)
      tpu.yield
    }) : () -> ()
    "tpu.region"() ({
      %run_scoped3A = tpu.sem_alloc : memref<!tpu.dma_semaphore, #tpu.memory_space<semaphore_mem>>
      %dma_start3A_64 = arith.constant 0 : i32
      %dma_start3A_65 = tpu.memref_slice %arg6[%mul3A_2, %dma_start3A_64] : memref<1024x128xf32, #tpu.memory_space<vmem_shared>> -> memref<64x128xf32, #tpu.memory_space<vmem_shared>>
      %dma_start3A_66 = arith.constant 0 : i32
      %dma_start3A_67 = tpu.memref_slice %arg6[%mul3A_2, %dma_start3A_66] : memref<1024x128xf32, #tpu.memory_space<vmem_shared>> -> memref<64x128xf32, #tpu.memory_space<vmem_shared>>
      tpu.enqueue_dma source(%arg9 : memref<64x128xf32, #tpu.memory_space<vmem>>) target(%dma_start3A_67 : memref<64x128xf32, #tpu.memory_space<vmem_shared>>) target_semaphore(%run_scoped3A : memref<!tpu.dma_semaphore, #tpu.memory_space<semaphore_mem>>)
      %dma_wait3A = arith.constant 0 : i32
      %dma_wait3A_68 = tpu.memref_slice %arg6[%mul3A_2, %dma_wait3A] : memref<1024x128xf32, #tpu.memory_space<vmem_shared>> -> memref<64x128xf32, #tpu.memory_space<vmem_shared>>
      %dma_wait3A_69 = arith.constant 0 : i32
      %dma_wait3A_70 = tpu.memref_slice %arg6[%mul3A_2, %dma_wait3A_69] : memref<1024x128xf32, #tpu.memory_space<vmem_shared>> -> memref<64x128xf32, #tpu.memory_space<vmem_shared>>
      tpu.wait_dma2 semaphore(%run_scoped3A : memref<!tpu.dma_semaphore, #tpu.memory_space<semaphore_mem>>) src(%arg9 : memref<64x128xf32, #tpu.memory_space<vmem>>) dst(%dma_wait3A_70 : memref<64x128xf32, #tpu.memory_space<vmem_shared>>)
      tpu.yield
    }) : () -> ()
    %barrier3A = arith.constant 0 : index
    tpu.barrier barrier_id(%barrier3A)
    %mul3A_3 = arith.constant 80 : i32
    %mul3A_4 = arith.muli %add3A, %mul3A_3 : i32
    %lt3A = arith.constant 31 : i32
    %lt3A_5 = arith.cmpi slt, %add3A, %lt3A : i32
    %jit3A = arith.constant 80 : i32
    %jit3A_6 = arith.constant 20 : i32
    %select_n3A = arith.select %lt3A_5, %jit3A, %jit3A_6 : i32
    "tpu.region"() ({
      %run_scoped3A = tpu.sem_alloc : memref<!tpu.dma_semaphore, #tpu.memory_space<semaphore_mem>>
      %dma_start3A_64 = arith.constant 0 : i32
      %dma_start3A_65 = tpu.memref_slice %arg3[%mul3A_4, %dma_start3A_64] : memref<2560x128xi32, #tpu.memory_space<hbm>> -> memref<80x128xi32, #tpu.memory_space<hbm>>
      %dma_start3A_66 = arith.constant 0 : i32
      %dma_start3A_67 = tpu.memref_slice %arg3[%mul3A_4, %dma_start3A_66] : memref<2560x128xi32, #tpu.memory_space<hbm>> -> memref<80x128xi32, #tpu.memory_space<hbm>>
      tpu.enqueue_dma source(%dma_start3A_67 : memref<80x128xi32, #tpu.memory_space<hbm>>) target(%arg8 : memref<80x128xi32, #tpu.memory_space<vmem>>) target_semaphore(%run_scoped3A : memref<!tpu.dma_semaphore, #tpu.memory_space<semaphore_mem>>)
      %dma_wait3A = arith.constant 0 : i32
      %dma_wait3A_68 = tpu.memref_slice %arg3[%mul3A_4, %dma_wait3A] : memref<2560x128xi32, #tpu.memory_space<hbm>> -> memref<80x128xi32, #tpu.memory_space<hbm>>
      %dma_wait3A_69 = arith.constant 0 : i32
      %dma_wait3A_70 = tpu.memref_slice %arg3[%mul3A_4, %dma_wait3A_69] : memref<2560x128xi32, #tpu.memory_space<hbm>> -> memref<80x128xi32, #tpu.memory_space<hbm>>
      tpu.wait_dma2 semaphore(%run_scoped3A : memref<!tpu.dma_semaphore, #tpu.memory_space<semaphore_mem>>) src(%dma_wait3A_70 : memref<80x128xi32, #tpu.memory_space<hbm>>) dst(%arg8 : memref<80x128xi32, #tpu.memory_space<vmem>>)
      tpu.yield
    }) : () -> ()
    %add3A_7 = arith.constant 0 : i32
    %add3A_8 = arith.addi %mul3A_4, %add3A_7 : i32
    %mul3A_9 = arith.constant 128 : i32
    %mul3A_10 = arith.muli %add3A_8, %mul3A_9 : i32
    %dma_start3A = arith.constant 0 : i32
    %dma_start3A_11 = arith.constant 0 : i32
    %dma_start3A_12 = tpu.memref_slice %arg7[%dma_start3A, %dma_start3A_11] : memref<640x128xf32, #tpu.memory_space<vmem>> -> memref<256x128xf32, #tpu.memory_space<vmem>>
    %dma_start3A_13 = arith.constant 0 : i32
    %dma_start3A_14 = tpu.memref_slice %arg2[%mul3A_10, %dma_start3A_13] : memref<320000x128xf32, #tpu.memory_space<hbm>> -> memref<256x128xf32, #tpu.memory_space<hbm>>
    %dma_start3A_15 = arith.constant 0 : i32
    %dma_start3A_16 = arith.constant 0 : i32
    %dma_start3A_17 = tpu.memref_slice %arg7[%dma_start3A_15, %dma_start3A_16] : memref<640x128xf32, #tpu.memory_space<vmem>> -> memref<256x128xf32, #tpu.memory_space<vmem>>
    %dma_start3A_18 = arith.constant 0 : i32
    %dma_start3A_19 = tpu.memref_slice %arg2[%mul3A_10, %dma_start3A_18] : memref<320000x128xf32, #tpu.memory_space<hbm>> -> memref<256x128xf32, #tpu.memory_space<hbm>>
    tpu.enqueue_dma source(%dma_start3A_19 : memref<256x128xf32, #tpu.memory_space<hbm>>) target(%dma_start3A_17 : memref<256x128xf32, #tpu.memory_space<vmem>>) target_semaphore(%arg10 : memref<!tpu.dma_semaphore, #tpu.memory_space<semaphore_mem>>)
    %add3A_20 = arith.constant 2 : i32
    %add3A_21 = arith.addi %mul3A_4, %add3A_20 : i32
    %mul3A_22 = arith.constant 128 : i32
    %mul3A_23 = arith.muli %add3A_21, %mul3A_22 : i32
    %dma_start3A_24 = arith.constant 256 : i32
    %dma_start3A_25 = arith.constant 0 : i32
    %dma_start3A_26 = tpu.memref_slice %arg7[%dma_start3A_24, %dma_start3A_25] : memref<640x128xf32, #tpu.memory_space<vmem>> -> memref<256x128xf32, #tpu.memory_space<vmem>>
    %dma_start3A_27 = arith.constant 0 : i32
    %dma_start3A_28 = tpu.memref_slice %arg2[%mul3A_23, %dma_start3A_27] : memref<320000x128xf32, #tpu.memory_space<hbm>> -> memref<256x128xf32, #tpu.memory_space<hbm>>
    %dma_start3A_29 = arith.constant 256 : i32
    %dma_start3A_30 = arith.constant 0 : i32
    %dma_start3A_31 = tpu.memref_slice %arg7[%dma_start3A_29, %dma_start3A_30] : memref<640x128xf32, #tpu.memory_space<vmem>> -> memref<256x128xf32, #tpu.memory_space<vmem>>
    %dma_start3A_32 = arith.constant 0 : i32
    %dma_start3A_33 = tpu.memref_slice %arg2[%mul3A_23, %dma_start3A_32] : memref<320000x128xf32, #tpu.memory_space<hbm>> -> memref<256x128xf32, #tpu.memory_space<hbm>>
    tpu.enqueue_dma source(%dma_start3A_33 : memref<256x128xf32, #tpu.memory_space<hbm>>) target(%dma_start3A_31 : memref<256x128xf32, #tpu.memory_space<vmem>>) target_semaphore(%arg11 : memref<!tpu.dma_semaphore, #tpu.memory_space<semaphore_mem>>)
    %jit3A_34 = arith.constant 4 : i32
    %div3A = arith.divsi %select_n3A, %jit3A_34 : i32
    %sign3A = arith.constant 0 : i32
    %sign3A_35 = arith.cmpi sgt, %select_n3A, %sign3A : i32
    %sign3A_36 = arith.extui %sign3A_35 : i1 to i32
    %sign3A_37 = arith.constant 0 : i32
    %sign3A_38 = arith.cmpi slt, %select_n3A, %sign3A_37 : i32
    %sign3A_39 = arith.extui %sign3A_38 : i1 to i32
    %sign3A_40 = arith.subi %sign3A_36, %sign3A_39 : i32
    %sign3A_41 = arith.constant 0 : i32
    %sign3A_42 = arith.cmpi sgt, %jit3A_34, %sign3A_41 : i32
    %sign3A_43 = arith.extui %sign3A_42 : i1 to i32
    %sign3A_44 = arith.constant 0 : i32
    %sign3A_45 = arith.cmpi slt, %jit3A_34, %sign3A_44 : i32
    %sign3A_46 = arith.extui %sign3A_45 : i1 to i32
    %sign3A_47 = arith.subi %sign3A_43, %sign3A_46 : i32
    %ne3A = arith.cmpi ne, %sign3A_40, %sign3A_47 : i32
    %rem3A = arith.remsi %select_n3A, %jit3A_34 : i32
    %ne3A_48 = arith.constant 0 : i32
    %ne3A_49 = arith.cmpi ne, %rem3A, %ne3A_48 : i32
    %and3A = arith.andi %ne3A, %ne3A_49 : i1
    %sub3A = arith.constant 1 : i32
    %sub3A_50 = arith.subi %div3A, %sub3A : i32
    %select_n3A_51 = arith.select %and3A, %sub3A_50, %div3A : i32
    %while3A = arith.constant 0 : i32
    %while3A_52 = arith.subi %select_n3A_51, %while3A : i32
    %while3A_53 = arith.addi %while3A, %while3A_52 : i32
    %while3A_54 = arith.constant 1 : i32
    %while3A_55 = arith.divsi %while3A_52, %while3A_54 : i32
    %while3A_56 = arith.muli %while3A_55, %while3A_54 : i32
    %while3A_57 = arith.addi %while3A, %while3A_56 : i32
    %while3A_58 = arith.constant 1 : i32
    scf.for %while3A_64 = %while3A to %while3A_57 step %while3A_58  : i32 {
      %mul3A_65 = arith.constant 2 : i32
      %mul3A_66 = arith.muli %while3A_64, %mul3A_65 : i32
      %add3A_67 = arith.constant 0 : i32
      %add3A_68 = arith.addi %mul3A_66, %add3A_67 : i32
      %dma_wait3A = arith.constant 0 : i32
      %dma_wait3A_69 = arith.constant 0 : i32
      %dma_wait3A_70 = tpu.memref_slice %arg7[%dma_wait3A, %dma_wait3A_69] : memref<640x128xf32, #tpu.memory_space<vmem>> -> memref<256x128xf32, #tpu.memory_space<vmem>>
      %dma_wait3A_71 = arith.constant 0 : i32
      %dma_wait3A_72 = arith.constant 0 : i32
      %dma_wait3A_73 = tpu.memref_slice %arg2[%dma_wait3A_71, %dma_wait3A_72] : memref<320000x128xf32, #tpu.memory_space<hbm>> -> memref<256x128xf32, #tpu.memory_space<hbm>>
      %dma_wait3A_74 = arith.constant 0 : i32
      %dma_wait3A_75 = arith.constant 0 : i32
      %dma_wait3A_76 = tpu.memref_slice %arg7[%dma_wait3A_74, %dma_wait3A_75] : memref<640x128xf32, #tpu.memory_space<vmem>> -> memref<256x128xf32, #tpu.memory_space<vmem>>
      %dma_wait3A_77 = arith.constant 0 : i32
      %dma_wait3A_78 = arith.constant 0 : i32
      %dma_wait3A_79 = tpu.memref_slice %arg2[%dma_wait3A_77, %dma_wait3A_78] : memref<320000x128xf32, #tpu.memory_space<hbm>> -> memref<256x128xf32, #tpu.memory_space<hbm>>
      tpu.wait_dma2 semaphore(%arg10 : memref<!tpu.dma_semaphore, #tpu.memory_space<semaphore_mem>>) src(%dma_wait3A_79 : memref<256x128xf32, #tpu.memory_space<hbm>>) dst(%dma_wait3A_76 : memref<256x128xf32, #tpu.memory_space<vmem>>)
      %add3A_80 = arith.constant 2 : i32
      %add3A_81 = arith.addi %add3A_68, %add3A_80 : i32
      %jit3A_82 = arith.constant 2 : i32
      %div3A_83 = arith.divsi %select_n3A, %jit3A_82 : i32
      %sign3A_84 = arith.constant 0 : i32
      %sign3A_85 = arith.cmpi sgt, %select_n3A, %sign3A_84 : i32
      %sign3A_86 = arith.extui %sign3A_85 : i1 to i32
      %sign3A_87 = arith.constant 0 : i32
      %sign3A_88 = arith.cmpi slt, %select_n3A, %sign3A_87 : i32
      %sign3A_89 = arith.extui %sign3A_88 : i1 to i32
      %sign3A_90 = arith.subi %sign3A_86, %sign3A_89 : i32
      %sign3A_91 = arith.constant 0 : i32
      %sign3A_92 = arith.cmpi sgt, %jit3A_82, %sign3A_91 : i32
      %sign3A_93 = arith.extui %sign3A_92 : i1 to i32
      %sign3A_94 = arith.constant 0 : i32
      %sign3A_95 = arith.cmpi slt, %jit3A_82, %sign3A_94 : i32
      %sign3A_96 = arith.extui %sign3A_95 : i1 to i32
      %sign3A_97 = arith.subi %sign3A_93, %sign3A_96 : i32
      %ne3A_98 = arith.cmpi ne, %sign3A_90, %sign3A_97 : i32
      %rem3A_99 = arith.remsi %select_n3A, %jit3A_82 : i32
      %ne3A_100 = arith.constant 0 : i32
      %ne3A_101 = arith.cmpi ne, %rem3A_99, %ne3A_100 : i32
      %and3A_102 = arith.andi %ne3A_98, %ne3A_101 : i1
      %sub3A_103 = arith.constant 1 : i32
      %sub3A_104 = arith.subi %div3A_83, %sub3A_103 : i32
      %select_n3A_105 = arith.select %and3A_102, %sub3A_104, %div3A_83 : i32
      %lt3A_106 = arith.cmpi slt, %add3A_81, %select_n3A_105 : i32
      %convert_element_type3A = arith.extui %lt3A_106 : i1 to i32
      %cond3A = arith.constant 0 : i32
      %cond3A_107 = arith.cmpi ne, %convert_element_type3A, %cond3A : i32
      scf.if %cond3A_107 {
        %add3A_154 = arith.constant 2 : i32
        %add3A_155 = arith.addi %add3A_68, %add3A_154 : i32
        %mul3A_156 = arith.constant 2 : i32
        %mul3A_157 = arith.muli %add3A_155, %mul3A_156 : i32
        %add3A_158 = arith.addi %mul3A_4, %mul3A_157 : i32
        %mul3A_159 = arith.constant 128 : i32
        %mul3A_160 = arith.muli %add3A_158, %mul3A_159 : i32
        %dma_start3A_161 = arith.constant 0 : i32
        %dma_start3A_162 = arith.constant 0 : i32
        %dma_start3A_163 = tpu.memref_slice %arg7[%dma_start3A_161, %dma_start3A_162] : memref<640x128xf32, #tpu.memory_space<vmem>> -> memref<256x128xf32, #tpu.memory_space<vmem>>
        %dma_start3A_164 = arith.constant 0 : i32
        %dma_start3A_165 = tpu.memref_slice %arg2[%mul3A_160, %dma_start3A_164] : memref<320000x128xf32, #tpu.memory_space<hbm>> -> memref<256x128xf32, #tpu.memory_space<hbm>>
        %dma_start3A_166 = arith.constant 0 : i32
        %dma_start3A_167 = arith.constant 0 : i32
        %dma_start3A_168 = tpu.memref_slice %arg7[%dma_start3A_166, %dma_start3A_167] : memref<640x128xf32, #tpu.memory_space<vmem>> -> memref<256x128xf32, #tpu.memory_space<vmem>>
        %dma_start3A_169 = arith.constant 0 : i32
        %dma_start3A_170 = tpu.memref_slice %arg2[%mul3A_160, %dma_start3A_169] : memref<320000x128xf32, #tpu.memory_space<hbm>> -> memref<256x128xf32, #tpu.memory_space<hbm>>
        tpu.enqueue_dma source(%dma_start3A_170 : memref<256x128xf32, #tpu.memory_space<hbm>>) target(%dma_start3A_168 : memref<256x128xf32, #tpu.memory_space<vmem>>) target_semaphore(%arg10 : memref<!tpu.dma_semaphore, #tpu.memory_space<semaphore_mem>>)
      } else {
      }
      %mul3A_108 = arith.constant 2 : i32
      %mul3A_109 = arith.muli %while3A_64, %mul3A_108 : i32
      %add3A_110 = arith.constant 1 : i32
      %add3A_111 = arith.addi %mul3A_109, %add3A_110 : i32
      %dma_wait3A_112 = arith.constant 256 : i32
      %dma_wait3A_113 = arith.constant 0 : i32
      %dma_wait3A_114 = tpu.memref_slice %arg7[%dma_wait3A_112, %dma_wait3A_113] : memref<640x128xf32, #tpu.memory_space<vmem>> -> memref<256x128xf32, #tpu.memory_space<vmem>>
      %dma_wait3A_115 = arith.constant 0 : i32
      %dma_wait3A_116 = arith.constant 0 : i32
      %dma_wait3A_117 = tpu.memref_slice %arg2[%dma_wait3A_115, %dma_wait3A_116] : memref<320000x128xf32, #tpu.memory_space<hbm>> -> memref<256x128xf32, #tpu.memory_space<hbm>>
      %dma_wait3A_118 = arith.constant 256 : i32
      %dma_wait3A_119 = arith.constant 0 : i32
      %dma_wait3A_120 = tpu.memref_slice %arg7[%dma_wait3A_118, %dma_wait3A_119] : memref<640x128xf32, #tpu.memory_space<vmem>> -> memref<256x128xf32, #tpu.memory_space<vmem>>
      %dma_wait3A_121 = arith.constant 0 : i32
      %dma_wait3A_122 = arith.constant 0 : i32
      %dma_wait3A_123 = tpu.memref_slice %arg2[%dma_wait3A_121, %dma_wait3A_122] : memref<320000x128xf32, #tpu.memory_space<hbm>> -> memref<256x128xf32, #tpu.memory_space<hbm>>
      tpu.wait_dma2 semaphore(%arg11 : memref<!tpu.dma_semaphore, #tpu.memory_space<semaphore_mem>>) src(%dma_wait3A_123 : memref<256x128xf32, #tpu.memory_space<hbm>>) dst(%dma_wait3A_120 : memref<256x128xf32, #tpu.memory_space<vmem>>)
      %add3A_124 = arith.constant 2 : i32
      %add3A_125 = arith.addi %add3A_111, %add3A_124 : i32
      %jit3A_126 = arith.constant 2 : i32
      %div3A_127 = arith.divsi %select_n3A, %jit3A_126 : i32
      %sign3A_128 = arith.constant 0 : i32
      %sign3A_129 = arith.cmpi sgt, %select_n3A, %sign3A_128 : i32
      %sign3A_130 = arith.extui %sign3A_129 : i1 to i32
      %sign3A_131 = arith.constant 0 : i32
      %sign3A_132 = arith.cmpi slt, %select_n3A, %sign3A_131 : i32
      %sign3A_133 = arith.extui %sign3A_132 : i1 to i32
      %sign3A_134 = arith.subi %sign3A_130, %sign3A_133 : i32
      %sign3A_135 = arith.constant 0 : i32
      %sign3A_136 = arith.cmpi sgt, %jit3A_126, %sign3A_135 : i32
      %sign3A_137 = arith.extui %sign3A_136 : i1 to i32
      %sign3A_138 = arith.constant 0 : i32
      %sign3A_139 = arith.cmpi slt, %jit3A_126, %sign3A_138 : i32
      %sign3A_140 = arith.extui %sign3A_139 : i1 to i32
      %sign3A_141 = arith.subi %sign3A_137, %sign3A_140 : i32
      %ne3A_142 = arith.cmpi ne, %sign3A_134, %sign3A_141 : i32
      %rem3A_143 = arith.remsi %select_n3A, %jit3A_126 : i32
      %ne3A_144 = arith.constant 0 : i32
      %ne3A_145 = arith.cmpi ne, %rem3A_143, %ne3A_144 : i32
      %and3A_146 = arith.andi %ne3A_142, %ne3A_145 : i1
      %sub3A_147 = arith.constant 1 : i32
      %sub3A_148 = arith.subi %div3A_127, %sub3A_147 : i32
      %select_n3A_149 = arith.select %and3A_146, %sub3A_148, %div3A_127 : i32
      %lt3A_150 = arith.cmpi slt, %add3A_125, %select_n3A_149 : i32
      %convert_element_type3A_151 = arith.extui %lt3A_150 : i1 to i32
      %cond3A_152 = arith.constant 0 : i32
      %cond3A_153 = arith.cmpi ne, %convert_element_type3A_151, %cond3A_152 : i32
      scf.if %cond3A_153 {
        %add3A_154 = arith.constant 2 : i32
        %add3A_155 = arith.addi %add3A_111, %add3A_154 : i32
        %mul3A_156 = arith.constant 2 : i32
        %mul3A_157 = arith.muli %add3A_155, %mul3A_156 : i32
        %add3A_158 = arith.addi %mul3A_4, %mul3A_157 : i32
        %mul3A_159 = arith.constant 128 : i32
        %mul3A_160 = arith.muli %add3A_158, %mul3A_159 : i32
        %dma_start3A_161 = arith.constant 256 : i32
        %dma_start3A_162 = arith.constant 0 : i32
        %dma_start3A_163 = tpu.memref_slice %arg7[%dma_start3A_161, %dma_start3A_162] : memref<640x128xf32, #tpu.memory_space<vmem>> -> memref<256x128xf32, #tpu.memory_space<vmem>>
        %dma_start3A_164 = arith.constant 0 : i32
        %dma_start3A_165 = tpu.memref_slice %arg2[%mul3A_160, %dma_start3A_164] : memref<320000x128xf32, #tpu.memory_space<hbm>> -> memref<256x128xf32, #tpu.memory_space<hbm>>
        %dma_start3A_166 = arith.constant 256 : i32
        %dma_start3A_167 = arith.constant 0 : i32
        %dma_start3A_168 = tpu.memref_slice %arg7[%dma_start3A_166, %dma_start3A_167] : memref<640x128xf32, #tpu.memory_space<vmem>> -> memref<256x128xf32, #tpu.memory_space<vmem>>
        %dma_start3A_169 = arith.constant 0 : i32
        %dma_start3A_170 = tpu.memref_slice %arg2[%mul3A_160, %dma_start3A_169] : memref<320000x128xf32, #tpu.memory_space<hbm>> -> memref<256x128xf32, #tpu.memory_space<hbm>>
        tpu.enqueue_dma source(%dma_start3A_170 : memref<256x128xf32, #tpu.memory_space<hbm>>) target(%dma_start3A_168 : memref<256x128xf32, #tpu.memory_space<vmem>>) target_semaphore(%arg11 : memref<!tpu.dma_semaphore, #tpu.memory_space<semaphore_mem>>)
      } else {
      }
    }
    %while3A_59 = arith.constant 1 : i32
    scf.for %while3A_64 = %while3A_57 to %while3A_53 step %while3A_59  : i32 {
      %mul3A_65 = arith.constant 2 : i32
      %mul3A_66 = arith.muli %while3A_64, %mul3A_65 : i32
      %add3A_67 = arith.constant 0 : i32
      %add3A_68 = arith.addi %mul3A_66, %add3A_67 : i32
      %dma_wait3A = arith.constant 0 : i32
      %dma_wait3A_69 = arith.constant 0 : i32
      %dma_wait3A_70 = tpu.memref_slice %arg7[%dma_wait3A, %dma_wait3A_69] : memref<640x128xf32, #tpu.memory_space<vmem>> -> memref<256x128xf32, #tpu.memory_space<vmem>>
      %dma_wait3A_71 = arith.constant 0 : i32
      %dma_wait3A_72 = arith.constant 0 : i32
      %dma_wait3A_73 = tpu.memref_slice %arg2[%dma_wait3A_71, %dma_wait3A_72] : memref<320000x128xf32, #tpu.memory_space<hbm>> -> memref<256x128xf32, #tpu.memory_space<hbm>>
      %dma_wait3A_74 = arith.constant 0 : i32
      %dma_wait3A_75 = arith.constant 0 : i32
      %dma_wait3A_76 = tpu.memref_slice %arg7[%dma_wait3A_74, %dma_wait3A_75] : memref<640x128xf32, #tpu.memory_space<vmem>> -> memref<256x128xf32, #tpu.memory_space<vmem>>
      %dma_wait3A_77 = arith.constant 0 : i32
      %dma_wait3A_78 = arith.constant 0 : i32
      %dma_wait3A_79 = tpu.memref_slice %arg2[%dma_wait3A_77, %dma_wait3A_78] : memref<320000x128xf32, #tpu.memory_space<hbm>> -> memref<256x128xf32, #tpu.memory_space<hbm>>
      tpu.wait_dma2 semaphore(%arg10 : memref<!tpu.dma_semaphore, #tpu.memory_space<semaphore_mem>>) src(%dma_wait3A_79 : memref<256x128xf32, #tpu.memory_space<hbm>>) dst(%dma_wait3A_76 : memref<256x128xf32, #tpu.memory_space<vmem>>)
      %add3A_80 = arith.constant 2 : i32
      %add3A_81 = arith.addi %add3A_68, %add3A_80 : i32
      %jit3A_82 = arith.constant 2 : i32
      %div3A_83 = arith.divsi %select_n3A, %jit3A_82 : i32
      %sign3A_84 = arith.constant 0 : i32
      %sign3A_85 = arith.cmpi sgt, %select_n3A, %sign3A_84 : i32
      %sign3A_86 = arith.extui %sign3A_85 : i1 to i32
      %sign3A_87 = arith.constant 0 : i32
      %sign3A_88 = arith.cmpi slt, %select_n3A, %sign3A_87 : i32
      %sign3A_89 = arith.extui %sign3A_88 : i1 to i32
      %sign3A_90 = arith.subi %sign3A_86, %sign3A_89 : i32
      %sign3A_91 = arith.constant 0 : i32
      %sign3A_92 = arith.cmpi sgt, %jit3A_82, %sign3A_91 : i32
      %sign3A_93 = arith.extui %sign3A_92 : i1 to i32
      %sign3A_94 = arith.constant 0 : i32
      %sign3A_95 = arith.cmpi slt, %jit3A_82, %sign3A_94 : i32
      %sign3A_96 = arith.extui %sign3A_95 : i1 to i32
      %sign3A_97 = arith.subi %sign3A_93, %sign3A_96 : i32
      %ne3A_98 = arith.cmpi ne, %sign3A_90, %sign3A_97 : i32
      %rem3A_99 = arith.remsi %select_n3A, %jit3A_82 : i32
      %ne3A_100 = arith.constant 0 : i32
      %ne3A_101 = arith.cmpi ne, %rem3A_99, %ne3A_100 : i32
      %and3A_102 = arith.andi %ne3A_98, %ne3A_101 : i1
      %sub3A_103 = arith.constant 1 : i32
      %sub3A_104 = arith.subi %div3A_83, %sub3A_103 : i32
      %select_n3A_105 = arith.select %and3A_102, %sub3A_104, %div3A_83 : i32
      %lt3A_106 = arith.cmpi slt, %add3A_81, %select_n3A_105 : i32
      %convert_element_type3A = arith.extui %lt3A_106 : i1 to i32
      %cond3A = arith.constant 0 : i32
      %cond3A_107 = arith.cmpi ne, %convert_element_type3A, %cond3A : i32
      scf.if %cond3A_107 {
        %add3A_154 = arith.constant 2 : i32
        %add3A_155 = arith.addi %add3A_68, %add3A_154 : i32
        %mul3A_156 = arith.constant 2 : i32
        %mul3A_157 = arith.muli %add3A_155, %mul3A_156 : i32
        %add3A_158 = arith.addi %mul3A_4, %mul3A_157 : i32
        %mul3A_159 = arith.constant 128 : i32
        %mul3A_160 = arith.muli %add3A_158, %mul3A_159 : i32
        %dma_start3A_161 = arith.constant 0 : i32
        %dma_start3A_162 = arith.constant 0 : i32
        %dma_start3A_163 = tpu.memref_slice %arg7[%dma_start3A_161, %dma_start3A_162] : memref<640x128xf32, #tpu.memory_space<vmem>> -> memref<256x128xf32, #tpu.memory_space<vmem>>
        %dma_start3A_164 = arith.constant 0 : i32
        %dma_start3A_165 = tpu.memref_slice %arg2[%mul3A_160, %dma_start3A_164] : memref<320000x128xf32, #tpu.memory_space<hbm>> -> memref<256x128xf32, #tpu.memory_space<hbm>>
        %dma_start3A_166 = arith.constant 0 : i32
        %dma_start3A_167 = arith.constant 0 : i32
        %dma_start3A_168 = tpu.memref_slice %arg7[%dma_start3A_166, %dma_start3A_167] : memref<640x128xf32, #tpu.memory_space<vmem>> -> memref<256x128xf32, #tpu.memory_space<vmem>>
        %dma_start3A_169 = arith.constant 0 : i32
        %dma_start3A_170 = tpu.memref_slice %arg2[%mul3A_160, %dma_start3A_169] : memref<320000x128xf32, #tpu.memory_space<hbm>> -> memref<256x128xf32, #tpu.memory_space<hbm>>
        tpu.enqueue_dma source(%dma_start3A_170 : memref<256x128xf32, #tpu.memory_space<hbm>>) target(%dma_start3A_168 : memref<256x128xf32, #tpu.memory_space<vmem>>) target_semaphore(%arg10 : memref<!tpu.dma_semaphore, #tpu.memory_space<semaphore_mem>>)
      } else {
      }
      %mul3A_108 = arith.constant 2 : i32
      %mul3A_109 = arith.muli %while3A_64, %mul3A_108 : i32
      %add3A_110 = arith.constant 1 : i32
      %add3A_111 = arith.addi %mul3A_109, %add3A_110 : i32
      %dma_wait3A_112 = arith.constant 256 : i32
      %dma_wait3A_113 = arith.constant 0 : i32
      %dma_wait3A_114 = tpu.memref_slice %arg7[%dma_wait3A_112, %dma_wait3A_113] : memref<640x128xf32, #tpu.memory_space<vmem>> -> memref<256x128xf32, #tpu.memory_space<vmem>>
      %dma_wait3A_115 = arith.constant 0 : i32
      %dma_wait3A_116 = arith.constant 0 : i32
      %dma_wait3A_117 = tpu.memref_slice %arg2[%dma_wait3A_115, %dma_wait3A_116] : memref<320000x128xf32, #tpu.memory_space<hbm>> -> memref<256x128xf32, #tpu.memory_space<hbm>>
      %dma_wait3A_118 = arith.constant 256 : i32
      %dma_wait3A_119 = arith.constant 0 : i32
      %dma_wait3A_120 = tpu.memref_slice %arg7[%dma_wait3A_118, %dma_wait3A_119] : memref<640x128xf32, #tpu.memory_space<vmem>> -> memref<256x128xf32, #tpu.memory_space<vmem>>
      %dma_wait3A_121 = arith.constant 0 : i32
      %dma_wait3A_122 = arith.constant 0 : i32
      %dma_wait3A_123 = tpu.memref_slice %arg2[%dma_wait3A_121, %dma_wait3A_122] : memref<320000x128xf32, #tpu.memory_space<hbm>> -> memref<256x128xf32, #tpu.memory_space<hbm>>
      tpu.wait_dma2 semaphore(%arg11 : memref<!tpu.dma_semaphore, #tpu.memory_space<semaphore_mem>>) src(%dma_wait3A_123 : memref<256x128xf32, #tpu.memory_space<hbm>>) dst(%dma_wait3A_120 : memref<256x128xf32, #tpu.memory_space<vmem>>)
      %add3A_124 = arith.constant 2 : i32
      %add3A_125 = arith.addi %add3A_111, %add3A_124 : i32
      %jit3A_126 = arith.constant 2 : i32
      %div3A_127 = arith.divsi %select_n3A, %jit3A_126 : i32
      %sign3A_128 = arith.constant 0 : i32
      %sign3A_129 = arith.cmpi sgt, %select_n3A, %sign3A_128 : i32
      %sign3A_130 = arith.extui %sign3A_129 : i1 to i32
      %sign3A_131 = arith.constant 0 : i32
      %sign3A_132 = arith.cmpi slt, %select_n3A, %sign3A_131 : i32
      %sign3A_133 = arith.extui %sign3A_132 : i1 to i32
      %sign3A_134 = arith.subi %sign3A_130, %sign3A_133 : i32
      %sign3A_135 = arith.constant 0 : i32
      %sign3A_136 = arith.cmpi sgt, %jit3A_126, %sign3A_135 : i32
      %sign3A_137 = arith.extui %sign3A_136 : i1 to i32
      %sign3A_138 = arith.constant 0 : i32
      %sign3A_139 = arith.cmpi slt, %jit3A_126, %sign3A_138 : i32
      %sign3A_140 = arith.extui %sign3A_139 : i1 to i32
      %sign3A_141 = arith.subi %sign3A_137, %sign3A_140 : i32
      %ne3A_142 = arith.cmpi ne, %sign3A_134, %sign3A_141 : i32
      %rem3A_143 = arith.remsi %select_n3A, %jit3A_126 : i32
      %ne3A_144 = arith.constant 0 : i32
      %ne3A_145 = arith.cmpi ne, %rem3A_143, %ne3A_144 : i32
      %and3A_146 = arith.andi %ne3A_142, %ne3A_145 : i1
      %sub3A_147 = arith.constant 1 : i32
      %sub3A_148 = arith.subi %div3A_127, %sub3A_147 : i32
      %select_n3A_149 = arith.select %and3A_146, %sub3A_148, %div3A_127 : i32
      %lt3A_150 = arith.cmpi slt, %add3A_125, %select_n3A_149 : i32
      %convert_element_type3A_151 = arith.extui %lt3A_150 : i1 to i32
      %cond3A_152 = arith.constant 0 : i32
      %cond3A_153 = arith.cmpi ne, %convert_element_type3A_151, %cond3A_152 : i32
      scf.if %cond3A_153 {
        %add3A_154 = arith.constant 2 : i32
        %add3A_155 = arith.addi %add3A_111, %add3A_154 : i32
        %mul3A_156 = arith.constant 2 : i32
        %mul3A_157 = arith.muli %add3A_155, %mul3A_156 : i32
        %add3A_158 = arith.addi %mul3A_4, %mul3A_157 : i32
        %mul3A_159 = arith.constant 128 : i32
        %mul3A_160 = arith.muli %add3A_158, %mul3A_159 : i32
        %dma_start3A_161 = arith.constant 256 : i32
        %dma_start3A_162 = arith.constant 0 : i32
        %dma_start3A_163 = tpu.memref_slice %arg7[%dma_start3A_161, %dma_start3A_162] : memref<640x128xf32, #tpu.memory_space<vmem>> -> memref<256x128xf32, #tpu.memory_space<vmem>>
        %dma_start3A_164 = arith.constant 0 : i32
        %dma_start3A_165 = tpu.memref_slice %arg2[%mul3A_160, %dma_start3A_164] : memref<320000x128xf32, #tpu.memory_space<hbm>> -> memref<256x128xf32, #tpu.memory_space<hbm>>
        %dma_start3A_166 = arith.constant 256 : i32
        %dma_start3A_167 = arith.constant 0 : i32
        %dma_start3A_168 = tpu.memref_slice %arg7[%dma_start3A_166, %dma_start3A_167] : memref<640x128xf32, #tpu.memory_space<vmem>> -> memref<256x128xf32, #tpu.memory_space<vmem>>
        %dma_start3A_169 = arith.constant 0 : i32
        %dma_start3A_170 = tpu.memref_slice %arg2[%mul3A_160, %dma_start3A_169] : memref<320000x128xf32, #tpu.memory_space<hbm>> -> memref<256x128xf32, #tpu.memory_space<hbm>>
        tpu.enqueue_dma source(%dma_start3A_170 : memref<256x128xf32, #tpu.memory_space<hbm>>) target(%dma_start3A_168 : memref<256x128xf32, #tpu.memory_space<vmem>>) target_semaphore(%arg11 : memref<!tpu.dma_semaphore, #tpu.memory_space<semaphore_mem>>)
      } else {
      }
    }
    %barrier3A_60 = arith.constant 0 : index
    tpu.barrier barrier_id(%barrier3A_60)
    "tpu.region"() ({
      %run_scoped3A = tpu.sem_alloc : memref<!tpu.dma_semaphore, #tpu.memory_space<semaphore_mem>>
      %dma_start3A_64 = arith.constant 0 : i32
      %dma_start3A_65 = tpu.memref_slice %arg6[%mul3A_2, %dma_start3A_64] : memref<1024x128xf32, #tpu.memory_space<vmem_shared>> -> memref<64x128xf32, #tpu.memory_space<vmem_shared>>
      %dma_start3A_66 = arith.constant 0 : i32
      %dma_start3A_67 = tpu.memref_slice %arg6[%mul3A_2, %dma_start3A_66] : memref<1024x128xf32, #tpu.memory_space<vmem_shared>> -> memref<64x128xf32, #tpu.memory_space<vmem_shared>>
      tpu.enqueue_dma source(%dma_start3A_67 : memref<64x128xf32, #tpu.memory_space<vmem_shared>>) target(%arg9 : memref<64x128xf32, #tpu.memory_space<vmem>>) target_semaphore(%run_scoped3A : memref<!tpu.dma_semaphore, #tpu.memory_space<semaphore_mem>>)
      %dma_wait3A = arith.constant 0 : i32
      %dma_wait3A_68 = tpu.memref_slice %arg6[%mul3A_2, %dma_wait3A] : memref<1024x128xf32, #tpu.memory_space<vmem_shared>> -> memref<64x128xf32, #tpu.memory_space<vmem_shared>>
      %dma_wait3A_69 = arith.constant 0 : i32
      %dma_wait3A_70 = tpu.memref_slice %arg6[%mul3A_2, %dma_wait3A_69] : memref<1024x128xf32, #tpu.memory_space<vmem_shared>> -> memref<64x128xf32, #tpu.memory_space<vmem_shared>>
      tpu.wait_dma2 semaphore(%run_scoped3A : memref<!tpu.dma_semaphore, #tpu.memory_space<semaphore_mem>>) src(%dma_wait3A_70 : memref<64x128xf32, #tpu.memory_space<vmem_shared>>) dst(%arg9 : memref<64x128xf32, #tpu.memory_space<vmem>>)
      tpu.yield
    }) : () -> ()
    %mul3A_61 = arith.constant 1024 : i32
    %mul3A_62 = arith.muli %arg0, %mul3A_61 : i32
    %add3A_63 = arith.addi %mul3A_62, %mul3A_2 : i32
    "tpu.region"() ({
      %run_scoped3A = tpu.sem_alloc : memref<!tpu.dma_semaphore, #tpu.memory_space<semaphore_mem>>
      %dma_start3A_64 = arith.constant 0 : i32
      %dma_start3A_65 = tpu.memref_slice %arg5[%add3A_63, %dma_start3A_64] : memref<2048x128xf32, #tpu.memory_space<hbm>> -> memref<64x128xf32, #tpu.memory_space<hbm>>
      %dma_start3A_66 = arith.constant 0 : i32
      %dma_start3A_67 = tpu.memref_slice %arg5[%add3A_63, %dma_start3A_66] : memref<2048x128xf32, #tpu.memory_space<hbm>> -> memref<64x128xf32, #tpu.memory_space<hbm>>
      tpu.enqueue_dma source(%arg9 : memref<64x128xf32, #tpu.memory_space<vmem>>) target(%dma_start3A_67 : memref<64x128xf32, #tpu.memory_space<hbm>>) target_semaphore(%run_scoped3A : memref<!tpu.dma_semaphore, #tpu.memory_space<semaphore_mem>>)
      %dma_wait3A = arith.constant 0 : i32
      %dma_wait3A_68 = tpu.memref_slice %arg5[%add3A_63, %dma_wait3A] : memref<2048x128xf32, #tpu.memory_space<hbm>> -> memref<64x128xf32, #tpu.memory_space<hbm>>
      %dma_wait3A_69 = arith.constant 0 : i32
      %dma_wait3A_70 = tpu.memref_slice %arg5[%add3A_63, %dma_wait3A_69] : memref<2048x128xf32, #tpu.memory_space<hbm>> -> memref<64x128xf32, #tpu.memory_space<hbm>>
      tpu.wait_dma2 semaphore(%run_scoped3A : memref<!tpu.dma_semaphore, #tpu.memory_space<semaphore_mem>>) src(%arg9 : memref<64x128xf32, #tpu.memory_space<vmem>>) dst(%dma_wait3A_70 : memref<64x128xf32, #tpu.memory_space<hbm>>)
      tpu.yield
    }) : () -> ()
    return
  }
}

module attributes {stable_mosaic.version = 14 : i64} {
  func.func @_mlp_body(%arg0: memref<2048x128xf32, #tpu.memory_space<vmem>>, %arg1: memref<128x128xf32, #tpu.memory_space<vmem>>, %arg2: memref<1x128xf32, #tpu.memory_space<vmem>>, %arg3: memref<1x128xf32, #tpu.memory_space<vmem>>, %arg4: memref<1x1xf32, #tpu.memory_space<vmem>>, %arg5: memref<1024x1xf32, #tpu.memory_space<vmem>>) attributes {dimension_semantics = [], scalar_prefetch = 0 : i64, scratch_operands = 0 : i64, tpu.core_type = #tpu.core_type<tc>} {
    %get3A = arith.constant 0 : index
    %get3A_0 = arith.constant 0 : index
    %get3A_1 = vector.load %arg0[%get3A, %get3A_0] : memref<2048x128xf32, #tpu.memory_space<vmem>>, vector<1024x128xf32>
    %get3A_2 = arith.constant 1024 : index
    %get3A_3 = arith.constant 0 : index
    %get3A_4 = vector.load %arg0[%get3A_2, %get3A_3] : memref<2048x128xf32, #tpu.memory_space<vmem>>, vector<1024x128xf32>
    %add3A = arith.addf %get3A_1, %get3A_4 : vector<1024x128xf32>
    %get3A_5 = arith.constant 0 : index
    %get3A_6 = arith.constant 0 : index
    %get3A_7 = vector.load %arg1[%get3A_5, %get3A_6] : memref<128x128xf32, #tpu.memory_space<vmem>>, vector<128x128xf32>
    %dot_general3A = arith.constant dense<0.000000e+00> : vector<1024x128xf32>
    %dot_general3A_8 = tpu.matmul %add3A, %get3A_7, %dot_general3A {dimension_numbers = #tpu.dot_dimension_numbers<[1], [0], [0], [1], [0, 0, 1, 1], [], []>, transpose_lhs_hint = false} : vector<1024x128xf32>, vector<128x128xf32>, vector<1024x128xf32> -> vector<1024x128xf32>
    %get3A_9 = arith.constant 0 : index
    %get3A_10 = arith.constant 0 : index
    %get3A_11 = vector.load %arg2[%get3A_9, %get3A_10] : memref<1x128xf32, #tpu.memory_space<vmem>>, vector<1x128xf32>
    %add3A_12 = vector.broadcast %get3A_11 : vector<1x128xf32> to vector<1024x128xf32>
    %add3A_13 = arith.addf %dot_general3A_8, %add3A_12 : vector<1024x128xf32>
    %max3A = arith.constant 0.000000e+00 : f32
    %max3A_14 = vector.broadcast %max3A : f32 to vector<1024x128xf32>
    %max3A_15 = arith.maximumf %add3A_13, %max3A_14 : vector<1024x128xf32>
    %get3A_16 = arith.constant 0 : index
    %get3A_17 = arith.constant 0 : index
    %get3A_18 = vector.load %arg3[%get3A_16, %get3A_17] : memref<1x128xf32, #tpu.memory_space<vmem>>, vector<1x128xf32>
    %mul3A = vector.broadcast %get3A_18 : vector<1x128xf32> to vector<1024x128xf32>
    %mul3A_19 = arith.mulf %max3A_15, %mul3A : vector<1024x128xf32>
    %reduce_sum3A = arith.constant dense<0.000000e+00> : vector<1024xf32>
    %reduce_sum3A_20 = vector.multi_reduction <add>, %mul3A_19, %reduce_sum3A [1] : vector<1024x128xf32> to vector<1024xf32>
    %broadcast_in_dim3A = vector.shape_cast %reduce_sum3A_20 : vector<1024xf32> to vector<1024x1xf32>
    %get3A_21 = arith.constant 0 : index
    %get3A_22 = arith.constant 0 : index
    %get3A_23 = vector.load %arg4[%get3A_21, %get3A_22] : memref<1x1xf32, #tpu.memory_space<vmem>>, vector<1x1xf32>
    %get3A_24 = vector.extract %get3A_23[0, 0] : f32 from vector<1x1xf32>
    %add3A_25 = vector.broadcast %get3A_24 : f32 to vector<1024x1xf32>
    %add3A_26 = arith.addf %broadcast_in_dim3A, %add3A_25 : vector<1024x1xf32>
    %swap3A = arith.constant 0 : index
    %swap3A_27 = arith.constant 0 : index
    %swap3A_28 = vector.load %arg5[%swap3A, %swap3A_27] : memref<1024x1xf32, #tpu.memory_space<vmem>>, vector<1024x1xf32>
    tpu.vector_store %arg5[%swap3A, %swap3A_27], %add3A_26 {strides = array<i32>} : memref<1024x1xf32, #tpu.memory_space<vmem>>, vector<1024x1xf32>,
    return
  }
}

</mosaic_0001>

<sc_bundles>
// kernel: kernel.4.cloned.1.call-start
scs
__scs_entry_jumppad:
0x0: {  	(pc) =	sbr.rel $0x88, $3  }
0x1: {  	(tag) =	ssettag $0x0;
	lr =	simm.s32 $0x1  }
0x2: {  	[smem:$0x3F9B] =	sst lr;
	_ =	strace $0xD0000000  }
0x3: {  	_ = 	snop  }
0x4: {  	_ = 	snop  }
0x5: {  	_ = 	snop  }
0x6: {  	_ = 	snop  }
0x7: {  	_ = 	snop  }
__scs_overlays_trampoline_lowered:
0x8: {  	[smem:$0x3FAA] =	sst s0  }
0x9: {  	[smem:$0x3FAB] =	sst s1  }
0xa: {  	[smem:$0x3FAC] =	sst s2  }
0xb: {  	[smem:$0x3FAD] =	sst s3  }
0xc: {  	[smem:$0x3FAE] =	sst s4  }
0xd: {  	[smem:$0x3FAF] =	sst s5  }
0xe: {  	[smem:$0x3FB0] =	sst s6  }
0xf: {  	[smem:$0x3FB1] =	sst s7  }
0x10: {  	[smem:$0x3FB2] =	sst s8  }
0x11: {  	[smem:$0x3FB3] =	sst s9;
	s0 =	simm.s32 @!p0 $0x0  }
0x12: {  	s1 =	sld [smem:$0x3F99];
	s0 =	simm.s32 @p0 $0x1  }
0x13: {  	[smem:$0x3FB4] =	sst s0;
	s0 =	simm.s32 @!p1 $0x0  }
0x14: {  	s2 =	sld [smem:$0x3F98];
	s0 =	simm.s32 @p1 $0x1  }
0x15: {  	[smem:$0x3FB5] =	sst s0;
	s0 =	simm.s32 @!p2 $0x0  }
0x16: {  	s3 =	sld [smem:$0x3FDB];
	s0 =	simm.s32 @p2 $0x1  }
0x17: {  	s4 =	simm.s32 $0x1BF5;
	[smem:$0x3FB7] =	sst s0  }
0x18: {  	s0 =	sld [smem:$0x3F9A];
	_ =	swait.ge [sflag:s4], $0x0  }
0x19: {  	s7 =	sld [smem:$0x3F9B]  }
0x1a: {  	s8 =	sadd.s32 $0xFFFFE003, lr  }
0x1b: {  	s9 =	sadd.s32 $0xFFFFFEF7, lr;
	s5 =	simm.s32 $0xFFFFFFFF;
	p2 =	slt.u32 s8, $0xFFFFF086  }
0x1c: {  	p1 =	slt.u32 s9, $0xF7A;
	s5 =	simm.s32 @!p2 $0x0  }
0x1d: {  	s5 =	simm.s32 @p1 $0x1;
	p0 =	seq.s32 s7, s2  }
0x1e: {  	s7 =	smul.u32 @!p0 $0xF7A, s2;
	p2 =	seq.s32 @!p0 s5, $0x0  }
0x1f: {  	s9 =	smul.u32 $0xF7A, s1;
	s8 =	simm.s32 @!p0 $0x1BF5;
	p2 =	por !p2, p0  }
0x20: {  	[sflag:s8] =	ssyncset.s32 @!p0 $0xFFFFF086;
	s6 =	sadd.s32 @!p0 s3, s7;
	s7 =	simm.s32 @!p0 $0x108  }
0x21: {  	s3 =	sadd.s32 s3, s9;
	s6 =	sadd.s32 @!p0 $0x88, s6;
	s7 =	simm.s32 @p2 $0x1082  }
0x22: {  	[simem:s7], [sflag:s8] =	dma.local @!p0 [hbm:s6], $0xF7A  }
0x23: {  	s9 =	sor.u32 $0xD0000000, s2;
	s6 =	simm.s32 $0x108;
	_ =	swait.ge @!p0 [sflag:s8], $0x0  }
0x24: {  	s3 =	sadd.s32 $0x88, s3;
	s6 =	simm.s32 @!p1 $0x1082;
	[sflag:s4] =	ssyncset.s32 $0xFFFFF086  }
0x25: {  	[simem:s6], [sflag:s4] =	dma.local [hbm:s3], $0xF7A  }
0x26: {  	[smem:$0x3F9B] =	sst s1;
	(tag) =	ssettag s2;
	_ =	strace s9  }
0x27: {  	s1 =	sld [smem:$0x3FAB]  }
0x28: {  	s2 =	sld [smem:$0x3FAC]  }
0x29: {  	s4 =	sld [smem:$0x3FAE]  }
0x2a: {  	p0 =	seq.s32 s5, $0x0;
	s5 =	sld [smem:$0x3FAF]  }
0x2b: {  	s6 =	sld [smem:$0x3FB0]  }
0x2c: {  	s7 =	sld [smem:$0x3FB1]  }
0x2d: {  	s3 =	simm.s32 $0x108;
	s8 =	sld [smem:$0x3FB2]  }
0x2e: {  	s3 =	simm.s32 @!p0 $0x1082;
	s9 =	sld [smem:$0x3FB3]  }
0x2f: {  	lr =	sadd.s32 s0, s3;
	s0 =	sld [smem:$0x3FAA]  }
0x30: {  	s3 =	sld [smem:$0x3FAD]  }
0x31: {  	[smem:$0x3FB6] =	sst s10  }
0x32: {  	s10 =	sld [smem:$0x3FB4];
	_ =	sdelay $0x3  }
0x33: {  	p0 =	seq.s32 s10, $0x1;
	s10 =	sld [smem:$0x3FB6];
	_ =	sdelay $0x3  }
0x34: {  	[smem:$0x3FB6] =	sst s10  }
0x35: {  	s10 =	sld [smem:$0x3FB5];
	_ =	sdelay $0x3  }
0x36: {  	p1 =	seq.s32 s10, $0x1;
	s10 =	sld [smem:$0x3FB6];
	_ =	sdelay $0x3  }
0x37: {  	[smem:$0x3FB6] =	sst s10  }
0x38: {  	s10 =	sld [smem:$0x3FB7]  }
0x39: {  	_ = 	snop;
	(pc) =	sbr.ind lr, $3  }
0x3a: {  	_ = 	snop  }
0x3b: {  	_ = 	snop  }
0x3c: {  	p2 =	seq.s32 s10, $0x1;
	s10 =	sld [smem:$0x3FB6]  }
0x3d: {  	_ =	shalt  }
0x3e: {  	_ =	shalt  }
0x3f: {  	_ =	shalt  }
0x40: {  	_ =	shalt  }
0x41: {  	_ =	shalt  }
0x42: {  	_ =	shalt  }
0x43: {  	_ =	shalt  }
0x44: {  	_ =	shalt  }
0x45: {  	_ =	shalt  }
0x46: {  	_ =	shalt  }
0x47: {  	_ =	shalt  }
0x48: {  	_ =	shalt  }
0x49: {  	_ =	shalt  }
0x4a: {  	_ =	shalt  }
0x4b: {  	_ =	shalt  }
0x4c: {  	_ =	shalt  }
0x4d: {  	_ =	shalt  }
0x4e: {  	_ =	shalt  }
0x4f: {  	_ =	shalt  }
0x50: {  	_ =	shalt  }
0x51: {  	_ =	shalt  }
0x52: {  	_ =	shalt  }
0x53: {  	_ =	shalt  }
0x54: {  	_ =	shalt  }
0x55: {  	_ =	shalt  }
0x56: {  	_ =	shalt  }
0x57: {  	_ =	shalt  }
0x58: {  	_ =	shalt  }
0x59: {  	_ =	shalt  }
0x5a: {  	_ =	shalt  }
0x5b: {  	_ =	shalt  }
0x5c: {  	_ =	shalt  }
0x5d: {  	_ =	shalt  }
0x5e: {  	_ =	shalt  }
0x5f: {  	_ =	shalt  }
0x60: {  	_ =	shalt  }
0x61: {  	_ =	shalt  }
0x62: {  	_ =	shalt  }
0x63: {  	_ =	shalt  }
0x64: {  	_ =	shalt  }
0x65: {  	_ =	shalt  }
0x66: {  	_ =	shalt  }
0x67: {  	_ =	shalt  }
0x68: {  	_ =	shalt  }
0x69: {  	_ =	shalt  }
0x6a: {  	_ =	shalt  }
0x6b: {  	_ =	shalt  }
0x6c: {  	_ =	shalt  }
0x6d: {  	_ =	shalt  }
0x6e: {  	_ =	shalt  }
0x6f: {  	_ =	shalt  }
0x70: {  	_ =	shalt  }
0x71: {  	_ =	shalt  }
0x72: {  	_ =	shalt  }
0x73: {  	_ =	shalt  }
0x74: {  	_ =	shalt  }
0x75: {  	_ =	shalt  }
0x76: {  	_ =	shalt  }
0x77: {  	_ =	shalt  }
0x78: {  	_ =	shalt  }
0x79: {  	_ =	shalt  }
0x7a: {  	_ =	shalt  }
0x7b: {  	_ =	shalt  }
0x7c: {  	_ =	shalt  }
0x7d: {  	_ =	shalt  }
0x7e: {  	_ =	shalt  }
0x7f: {  	_ =	shalt  }
0x80: {  	_ =	shalt  }
0x81: {  	_ =	shalt  }
0x82: {  	_ =	shalt  }
0x83: {  	_ =	shalt  }
0x84: {  	_ =	shalt  }
0x85: {  	_ =	shalt  }
0x86: {  	_ =	shalt  }
0x87: {  	_ =	shalt  }
.Lfunc_end0:
.L_simem_size_0:
called_computation_lowered:
.L_overlay_start_0:
0x88: {  	s2 =	sld [smem:$0x3FD9]  }
0x89: {  	s3 =	sld [smem:$0x3FFE];
	_ =	sdelay $0x1  }
0x8a: {  	s1 =	srdreg.scid  }
0x8b: {  	s0 =	sand.u32 $0x1, s1  }
0x8c: {  	s17 =	sshll.u32 s0, $0xA;
	s2 =	sadd.s32 s3, s2  }
0x8d: {  	s2 =	sadd.s32 s2, s17  }
0x8e: {  	[smem:$0x3FC2] =	sst s2  }
0x8f: {  	_ = 	snop  }
0x90: {  	s2 =	sld [smem:$0x3FC9];
	(tm) =	ssettm $0x1  }
0x91: {  	s18 =	sld [smem:$0x3FFB];
	_ =	sdelay $0x3  }
0x92: {  	_ =	strace s18  }
0x93: {  	s3 =	sld [smem:$0x3FFC];
	_ =	sdelay $0x3  }
0x94: {  	_ =	strace s3  }
0x95: {  	s3 =	sld [smem:$0x3FFD];
	_ =	sdelay $0x3  }
0x96: {  	_ =	strace s3  }
0x97: {  	_ =	strace $0x8FFFFFFF  }
0x98: {  	s19 =	sld [smem:$0x3FDB];
	_ =	sdelay $0x1  }
0x99: {  	s4 =	simm.s32 $_scs_section_size  }
0x9a: {  	s5 =	simm.s32 $_size__tile_overlayer_lowered;
	s6 =	simm.s32 $_tile_overlayer_lowered  }
0x9b: {  	s22 =	simm.s32 $0x1BFF;
	s21 =	sshll.u32 s6, $0x1;
	s3 =	sadd.s32 s4, s19  }
0x9c: {  	s7 =	simm.s32 $0x0;
	s20 =	sshll.u32 s5, $0x1;
	s5 =	sadd.s32 s21, s3  }
0x9d: {  	[timem:s7], [sflag:s22] =	dma.local [hbm:s5], s20  }
0x9e: {  	_ =	swait.ge [sflag:s22], s20  }
0x9f: {  	s4 =	ssub.s32 $0x0, s20;
	[sflag:s22] =	ssyncset.done $0x0  }
0xa0: {  	[sflag:s22] =	ssyncadd.s32 s4;
	_ =	sdelay $0x1  }
0xa1: {  	s23 =	simm.s32 $0x1B8B  }
0xa2: {  	_ =	swait.ge [sflag:s23], $0x1  }
0xa3: {  	[sflag:s23] =	ssyncset.done $0x0  }
0xa4: {  	s25 =	simm.s32 $0x1B8E;
	s24 =	sld [smem:$0x3FFE];
	[sflag:s23] =	ssyncadd.s32 $0xFFFFFFFF  }
0xa5: {  	s26 =	simm.s32 $execute0_lowered;
	[smem:$0x3FD2] =	sst s25  }
0xa6: {  	s5 =	sshll.u32 s26, $0x1;
	_ =	strace $0x80000046;
	[dreg:$0x1] =	wrdreg $0xFFFFFFFF  }
0xa7: {  	s28 =	simm.s32 $_size_execute0_lowered;
	s3 =	sadd.s32 s3, s5;
	[dreg:$0x0] =	wrdreg $0x0  }
0xa8: {  	s5 =	sshll.u32 s28, $0x1;
	[dreg:$0x2] =	wrdreg s3  }
0xa9: {  	[dreg:$0x3] =	wrdreg s5  }
0xaa: {  	[dreg:$0x4] =	wrdreg $0xC0  }
0xab: {  	_ =	task [dreg:s7], $0x5FFFF  }
0xac: {  	[dreg:$0x1] =	wrdreg $0xFFFFFFFF  }
0xad: {  	[dreg:$0x0] =	wrdreg $0x60  }
0xae: {  	[dreg:$0x2] =	wrdreg s2  }
0xaf: {  	[dreg:$0x3] =	wrdreg s24  }
0xb0: {  	[dreg:$0x4] =	wrdreg $0x0  }
0xb1: {  	[dreg:$0x5] =	wrdreg $0x9  }
0xb2: {  	_ =	task.clear_ibuf [dreg:s7], $0x6FFFF;
	_ =	strace $0x90000046  }
0xb3: {  	s29 =	simm.s32 $0x9;
	_ =	strace $0x80000048  }
0xb4: {  	_ =	swait.ge [sflag:s29], $0x1  }
0xb5: {  	[sflag:s29] =	ssyncadd.s32 $0xFFFFFFFF  }
0xb6: {  	_ =	strace $0x90000048  }
0xb7: {  	_ =	sfence  }
0xb8: {  	s30 =	sld [smem:$0x0];
	_ =	sdelay $0x2  }
0xb9: {  	s31 =	sshll.u32 s1, $0xD;
	s1 =	sshrl.u32 s1, $0x2  }
0xba: {  	s3 =	sand.u32 $0x4000, s31;
	s1 =	sadd.s32 s1, s30  }
0xbb: {  	s0 =	sor.u32 s3, s0;
	s1 =	sshll.u32 s1, $0x11  }
0xbc: {  	s0 =	sor.u32 s1, s0  }
0xbd: {  	s0 =	sadd.s32 $0x8F2B, s0  }
0xbe: {  	[sflag:s0] =	ssyncadd.remote.s32 $0x1  }
0xbf: {  	_ =	sfence.sel $0xFFFF  }
0xc0: {  	[dreg:$0x0] =	wrdreg $0xFFFFFFFF;
	(pc) =	sbr.abs _section_cstart, $3  }
0xc1: {  	[dreg:$0x1] =	wrdreg $0xFFFFFFFF  }
0xc2: {  	_ =	task.clear_ibuf [dreg:s7], $0x2FFFF;
	_ =	strace $0x9FFFFFFF  }
0xc3: {  	(tm) =	ssettm $0x7FFFFFFF  }
tec
execute0_lowered:
.L_overlay_start_1:
0x0: {  	(tag) =	ssettag $0x1  }
0x1: {  	s15 =	rddreg [dreg:$0x0]  }
0x2: {  	s3 =	rddreg [dreg:$0x1]  }
0x3: {  	s1 =	srdreg.scid;
	s0 =	stileid.u32  }
0x4: {  	s4 =	rddreg [dreg:$0x2];
	s2 =	simm.s32 $0x0;
	s12 =	simm.s32 $0x14  }
0x5: {  	s18 =	simm.s32 $0x2000;
	s19 =	simm.s32 $0xA000;
	s20 =	simm.s32 $0x1  }
0x6: {  	s21 =	simm.s32 $0x2;
	s22 =	simm.s32 $0x3;
	s23 =	simm.s32 $0x0  }
0x7: {  	s7 =	sand.u32 $0x1, s1;
	s5 =	sshll.u32 s0, $0x1;
	s1 =	rddreg [dreg:$0x3]  }
0x8: {  	[smem:$0x7FF] =	sst s2;
	s9 =	sshll.u32 s0, $0xA;
	s24 =	sshll.u32 s0, $0xD  }
0x9: {  	s13 =	smul.u32 $0x280000, s0;
	s5 =	sor.u32 s7, s5;
	s8 =	ssub.s32 $0x2, s7  }
0xa: {  	_ =	strace $0x80000047;
	s9 =	sadd.s32 s9, s3;
	s25 =	smul.u32 $0x140000, s7  }
0xb: {  	s4 =	sadd.s32 s24, s4;
	s26 =	sshll.u32 s7, $0xE;
	s6 =	smul.u32 $0x500, s5  }
0xc: {  	s10 =	sshrl.u32 s8, $0x1;
	s11 =	smul.u32 $0x28000, s5;
	p0 =	seq.s32 s5, $0x1F  }
0xd: {  	s10 =	ssub.s32 s8, s10;
	s12 =	simm.s32 @!p0 $0x50;
	s13 =	sadd.s32 s25, s13  }
0xe: {  	s6 =	sadd.s32 s6, s3;
	s3 =	sadd.s32 $0xAC00, s9;
	s9 =	sadd.s32 s26, s9  }
0xf: {  	s8 =	sshrl.u32 s12, $0x1;
	s28 =	sor.u32 $0x28000, s13;
	s10 =	smax.u32 s10, $0x1  }
0x10: {  	s12 =	sshll.u32 s12, $0xB;
	s30 =	sor.u32 $0x20000, s13;
	s16 =	sor.u32 $0x10000, s13  }
0x11: {  	s17 =	sor.u32 $0x18000, s13;
	s5 =	sadd.s32 $0xC00, s6;
	s6 =	sadd.s32 s15, s11  }
0x12: {  	s9 =	sadd.s32 $0xEC00, s9;
	s14 =	sshrl.u32 s28, $0x3;
	s11 =	sadd.s32 $0xFFFFE000, s12  }
0x13: {  	s16 =	sshrl.u32 s16, $0x3;
	s29 =	sadd.s32 s14, s15;
	s14 =	sshrl.u32 s30, $0x3  }
0x14: {  	s31 =	sshrl.u32 s17, $0x3;
	s17 =	simm.s32 $0x16000;
	s14 =	sadd.s32 s14, s15  }
0x15: {  	s7 =	sadd.s32 $0x1000, s6;
	s12 =	sadd.s32 $0xFFFFE000, s29;
	s13 =	sadd.s32 $0xFFFFE000, s14  }
0x16: {  	s14 =	sadd.s32 s16, s15;
	s15 =	sadd.s32 s31, s15;
	s16 =	simm.s32 $0x18800  }
.LBB2_1:
0x17: {  	[tilespmem:s16], [sflag:$0x3] =	stream.linear.gather [hbm4b:s3+s2], $0x2000, $0x38;
	[tilespmem:$0x1A800] =	vst v63  }
0x18: {  	_ =	swait.ge [sflag:s22], $0x2000  }
0x19: {  	[sflag:s22] =	ssyncset.done $0x0  }
0x1a: {  	[sflag:s22] =	ssyncadd.s32 $0xFFFFE000  }
0x1b: {  	[spmem:s4] =	stream.linear.scatter [tilespmem:s16], [sflag:$0x3], $0x2000, $0x38;
	[tilespmem:$0x1A800] =	vst v63  }
0x1c: {  	_ =	swait.ge [sflag:s22], $0x2000  }
0x1d: {  	[sflag:s22] =	ssyncset.done $0x0  }
0x1e: {  	[sflag:s22] =	ssyncadd.s32 $0xFFFFE000  }
0x1f: {  	[bflag:$0x0] =	sbarrier.arrive $0xFFFF  }
0x20: {  	[tilespmem:s17], [sflag:$0x3] =	stream.linear.gather [hbm4b:s5+s2], $0x2800, $0x38;
	[tilespmem:$0x1A800] =	vst v63  }
0x21: {  	_ =	swait.ge [sflag:s22], $0x2800  }
0x22: {  	[sflag:s22] =	ssyncset.done $0x0  }
0x23: {  	[sflag:s22] =	ssyncadd.s32 $0xFFFFD800  }
0x24: {  	[tilespmem:s18], [sflag:$0x1] =	stream.linear.gather [hbm4b:s6+s2], $0x8000, $0x38;
	[tilespmem:$0x1A800] =	vst v63  }
0x25: {  	s24 =	simm.s32 $0x2000  }
0x26: {  	[tilespmem:s19], [sflag:$0x2] =	stream.linear.gather [hbm4b:s7+s2], $0x8000, $0x38;
	[tilespmem:$0x1A800] =	vst v63  }
0x27: {  	p0 =	sle.u32 s8, $0x2;
	p1 =	sne.s32 s11, $0x2000;
	_ =	swait.ge [sflag:s20], $0x8000  }
.Ltmp0:
0x28: {  	s25 =	sadd.s32 @!p0 $0x0, s14;
	[sflag:s20] =	ssyncset.done $0x0;
	(pc) =	sbr.rel @!p1 .LBB2_3-.Ltmp0, $4  }
0x29: {  	s26 =	simm.s32 @!p0 $0x0;
	s28 =	simm.s32 @!p0 $0x2000;
	[sflag:s20] =	ssyncadd.s32 $0xFFFF8000  }
0x2a: {  	[tilespmem:s28], [sflag:$0x1] =	stream.linear.gather @!p0 [hbm4b:s25+s26], $0x8000, $0x38;
	[tilespmem:$0x1A800] =	vst v63  }
0x2b: {  	p0 =	sle.u32 s8, $0x3;
	s25 =	simm.s32 $0x5;
	_ =	swait.ge [sflag:s21], $0x8000  }
0x2c: {  	s26 =	sadd.s32 @!p0 $0x0, s15;
	s28 =	simm.s32 @!p0 $0xA000;
	[sflag:s21] =	ssyncset.done $0x0  }
.LBB2_2:
0x2d: {  	[sflag:s21] =	ssyncadd.s32 $0xFFFF8000  }
0x2e: {  	s29 =	simm.s32 @!p0 $0x0;
	s30 =	smov.u32 s24;
	s24 =	sadd.s32 $0x2000, s24  }
0x2f: {  	[tilespmem:s28], [sflag:$0x2] =	stream.linear.gather @!p0 [hbm4b:s26+s29], $0x8000, $0x38;
	[tilespmem:$0x1A800] =	vst v63  }
0x30: {  	p1 =	sne.s32 s11, s24;
	s26 =	sadd.s32 $0xFFFFFFFF, s25  }
0x31: {  	p0 =	sge.u32 s26, s8;
	_ =	swait.ge [sflag:s20], $0x8000  }
0x32: {  	s26 =	sadd.s32 @!p0 s30, s14;
	[sflag:s20] =	ssyncset.done $0x0  }
.Ltmp1:
0x33: {  	s28 =	simm.s32 @!p0 $0x0;
	s29 =	simm.s32 @!p0 $0x2000;
	(pc) =	sbr.rel @p1 .LBB2_2-.Ltmp1, $4  }
0x34: {  	[sflag:s20] =	ssyncadd.s32 $0xFFFF8000  }
0x35: {  	[tilespmem:s29], [sflag:$0x1] =	stream.linear.gather @!p0 [hbm4b:s26+s28], $0x8000, $0x38;
	[tilespmem:$0x1A800] =	vst v63  }
0x36: {  	p0 =	sge.u32 s25, s8;
	s25 =	sadd.s32 $0x2, s25;
	_ =	swait.ge [sflag:s21], $0x8000  }
0x37: {  	s26 =	sadd.s32 @!p0 s30, s15;
	s28 =	simm.s32 @!p0 $0xA000;
	[sflag:s21] =	ssyncset.done $0x0  }
.LBB2_3:
0x38: {  	[sflag:s21] =	ssyncadd.s32 $0xFFFF8000;
	s29 =	simm.s32 @!p0 $0x0;
	s31 =	sadd.s32 $0xFFFFFFFF, s25  }
0x39: {  	[tilespmem:s28], [sflag:$0x2] =	stream.linear.gather @!p0 [hbm4b:s26+s29], $0x8000, $0x38;
	[tilespmem:$0x1A800] =	vst v63  }
0x3a: {  	p0 =	sge.u32 s31, s8;
	_ =	swait.ge [sflag:s20], $0x8000  }
0x3b: {  	s26 =	sadd.s32 @!p0 s24, s13;
	[sflag:s20] =	ssyncset.done $0x0  }
0x3c: {  	s28 =	simm.s32 @!p0 $0x0;
	s29 =	simm.s32 @!p0 $0x2000;
	[sflag:s20] =	ssyncadd.s32 $0xFFFF8000  }
0x3d: {  	[tilespmem:s29], [sflag:$0x1] =	stream.linear.gather @!p0 [hbm4b:s26+s28], $0x8000, $0x38;
	[tilespmem:$0x1A800] =	vst v63  }
0x3e: {  	p0 =	sge.u32 s25, s8;
	_ =	swait.ge [sflag:s21], $0x8000  }
0x3f: {  	s24 =	sadd.s32 @!p0 s24, s12;
	[sflag:s21] =	ssyncset.done $0x0  }
0x40: {  	s25 =	simm.s32 @!p0 $0x0;
	s26 =	simm.s32 @!p0 $0xA000;
	[sflag:s21] =	ssyncadd.s32 $0xFFFF8000  }
0x41: {  	[tilespmem:s26], [sflag:$0x2] =	stream.linear.gather @!p0 [hbm4b:s24+s25], $0x8000, $0x38;
	[tilespmem:$0x1A800] =	vst v63  }
0x42: {  	[bflag:$0x0] =	sbarrier.arrive $0xFFFF  }
0x43: {  	[tilespmem:s16], [sflag:$0x3] =	stream.linear.gather [spmem:s4], $0x2000, $0x38;
	[tilespmem:$0x1A800] =	vst v63  }
0x44: {  	s23 =	sadd.s32 $0x1, s23;
	_ =	swait.ge [sflag:s22], $0x2000  }
0x45: {  	p0 =	sne.s32 s23, s10;
	[sflag:s22] =	ssyncset.done $0x0  }
.Ltmp2:
0x46: {  	[sflag:s22] =	ssyncadd.s32 $0xFFFFE000;
	(pc) =	sbr.rel @p0 .LBB2_1-.Ltmp2, $4  }
0x47: {  	[hbm4b:s9+s2] =	stream.linear.scatter [tilespmem:s16], [sflag:$0x3], $0x2000, $0x38;
	[tilespmem:$0x1A800] =	vst v63  }
0x48: {  	_ =	swait.ge [sflag:s22], $0x2000  }
0x49: {  	[sflag:s22] =	ssyncset.done $0x0  }
0x4a: {  	[sflag:s22] =	ssyncadd.s32 $0xFFFFE000  }
0x4b: {  	_ =	sfence.sel $0x180000  }
0x4c: {  	[bflag:$0x0] =	sbarrier.arrive $0xFFFF  }
0x4d: {  	p0 =	sne.s32 s0, $0x0;
	_ =	strace $0x90000047  }
0x4e: {  	s0 =	sadd.s32 @!p0 $0x100000, s1;
	[bflag:$0x2] =	sbarrier.arrive $0xFFFF  }
0x4f: {  	[sflag:s0] =	ssyncadd.tile.s32 @!p0 $0x1;
	_ =	shalt  }
.Lfunc_end2:
_tile_overlayer_lowered:
.L_overlay_start_2:
0x50: {  	(tag) =	ssettag $0x2  }
0x51: {  	s0 =	rddreg [dreg:$0x0];
	s2 =	stileid.u32  }
0x52: {  	s1 =	rddreg [dreg:$0x1];
	p0 =	sne.s32 s2, $0x0  }
0x53: {  	s3 =	rddreg [dreg:$0x2];
	[bflag:$0x3] =	sbarrier.arrive $0xFFFF;
	s2 =	simm.s32 @!p0 $0x1C03  }
0x54: {  	[timem:s3], [sflag:s2] =	dma.local @!p0 [hbm:s0], s1  }
0x55: {  	s0 =	simm.s32 @!p0 $0x3  }
0x56: {  	_ =	swait.ge @!p0 [sflag:s0], s1  }
0x57: {  	s1 =	ssub.s32 @!p0 $0x0, s1;
	[sflag:s0] =	ssyncset.done @!p0 $0x0  }
0x58: {  	[sflag:s0] =	ssyncadd.s32 @!p0 s1  }
0x59: {  	[bflag:$0x3] =	sbarrier.arrive $0xFFFF  }
0x5a: {  	_ =	shalt  }

</sc_bundles>
